<compile_context>
chip_gen: v7x
topology: tpu7x:2x2x1
jax: 0.10.2.dev20260603
libtpu: 0.0.44.dev20260713+nightly
codegen_flags: <defaults>
</compile_context>

<pallas_src>
import functools

import jax
import jax.numpy as jnp
from jax import lax
from jax.experimental import pallas as pl
from jax.experimental.pallas import tpu as pltpu
from jax.experimental.pallas import tpu_sc as plsc

B, A = 4096, 64
NC, NS, L = 2, 16, 16
NW = NC * NS
BANDS = 8
QUARTERS = NW // BANDS
BROWS = A // BANDS
BCOLS = B // QUARTERS
UNROLL = 8

_mesh = plsc.VectorSubcoreMesh(core_axis_name="c", subcore_axis_name="s")

_GATHER_DNUMS = lax.GatherDimensionNumbers(
    offset_dims=(), collapsed_slice_dims=(0,), start_index_map=(0,)
)


def _vgather(src, idx):
    return lax.gather(
        src, idx[:, None], _GATHER_DNUMS, slice_sizes=(1,),
        mode=lax.GatherScatterMode.PROMISE_IN_BOUNDS,
    )


@functools.partial(
    pl.kernel,
    mesh=_mesh,
    out_type=jax.ShapeDtypeStruct((A, B), jnp.int32),
    scratch_types=[
        pltpu.VMEM((BROWS, BCOLS), jnp.int32),
        pltpu.VMEM((BROWS, BCOLS), jnp.int32),
        pltpu.VMEM((L,), jnp.int32),
    ],
)
def _convert_sc(species_hbm, lut_hbm, out_hbm, inbuf, outbuf, lutbuf):
    wid = lax.axis_index("s") * jnp.int32(NC) + lax.axis_index("c")
    row0 = (wid // jnp.int32(QUARTERS)) * jnp.int32(BROWS)
    col0 = (wid % jnp.int32(QUARTERS)) * jnp.int32(BCOLS)
    pltpu.sync_copy(lut_hbm, lutbuf)
    pltpu.sync_copy(
        species_hbm.at[pl.ds(row0, BROWS), pl.ds(col0, BCOLS)], inbuf)
    lut = lutbuf[...]

    def _row(r, carry):
        @plsc.parallel_loop(jnp.int32(0), jnp.int32(BCOLS), step=jnp.int32(L),
                            unroll=UNROLL)
        def _body(off):
            v = inbuf[r, pl.ds(off, L)]
            clipped = jnp.minimum(jnp.maximum(v, jnp.int32(0)), jnp.int32(8))
            outbuf[r, pl.ds(off, L)] = _vgather(lut, clipped)
        return carry

    lax.fori_loop(jnp.int32(0), jnp.int32(BROWS), _row, jnp.int32(0))

    pltpu.sync_copy(
        outbuf, out_hbm.at[pl.ds(row0, BROWS), pl.ds(col0, BCOLS)])


def kernel(species, coordinates, conv_table):
    species32 = species.astype(jnp.int32).T
    lut = jnp.concatenate(
        [conv_table.astype(jnp.int32), jnp.full((L - 9,), -1, jnp.int32)]
    )
    out32 = _convert_sc(species32, lut)
    species_idx = out32.T.astype(jnp.int64)
    return species_idx, coordinates

# --- scband reference (transcript-rebuilt; emitter-appended) ---
"""Pipeline reference for scband-atomic-numbers-to-indices-55405078119212 (READ-ONLY COPY).

The authoritative reference and input builder live on the scoring server;
editing this copy changes nothing except your own understanding.
"""

import jax
jax.config.update("jax_enable_x64", True)
import jax.numpy as jnp
import numpy as np

SYMBOLS = ["H", "He", "Li", "Be", "B", "C", "N", "O"]
ATOMIC_NUMBERS = {"H": 1, "He": 2, "Li": 3, "Be": 4, "B": 5, "C": 6, "N": 7, "O": 8}
MAX_Z = 8


def _build_conv_table():
    # SpeciesConverter-style lookup table: atomic number -> index in `symbols`,
    # with -1 for unknown / padding entries.
    table = -np.ones(MAX_Z + 1, dtype=np.int64)
    for i, s in enumerate(SYMBOLS):
        table[ATOMIC_NUMBERS[s]] = i
    return jnp.asarray(table, dtype=jnp.int64)


def setup_inputs(seed: int = 0) -> dict:
    key = jax.random.key(seed)
    k1, k2 = jax.random.split(key)
    B, A = 4096, 64
    species = jax.random.randint(k1, (B, A), 0, MAX_Z + 1, dtype=jnp.int64)
    coordinates = jax.random.normal(k2, (B, A, 3), dtype=jnp.float32)
    conv_table = _build_conv_table()
    return {"species": species, "coordinates": coordinates, "conv_table": conv_table}


def reference(species, coordinates, conv_table):
    # Faithful translation of AtomicNumbersToIndices.forward:
    # properties['species'] = converter((species, coordinates)).species
    # i.e. a gather into the atomic-number -> index conversion table,
    # preserving -1 padding entries.
    clipped = jnp.clip(species, 0, MAX_Z)
    converted = jnp.take(conv_table, clipped, axis=0)
    species_idx = jnp.where(species < 0, jnp.int64(-1), converted)
    # Returned 'properties' dict contents (species replaced, coordinates untouched)
    return species_idx, coordinates

if __name__ == "__main__":
    import jax
    _d = setup_inputs()
    print(jax.jit(kernel)(*tuple(_d.values())))

</pallas_src>

<mosaic_0001>
#map = affine_map<(d0, d1) -> (0, 0)>
#map1 = affine_map<(d0, d1) -> (0)>
module attributes {stable_mosaic.version = 14 : i64} {
  func.func @_convert_sc(%arg0: i32, %arg1: i32, %arg2: memref<64x4096xi32, #tpu.memory_space<hbm>>, %arg3: memref<16xi32, #tpu.memory_space<hbm>>, %arg4: memref<64x4096xi32, #tpu.memory_space<hbm>>, %arg5: memref<8x1024xi32, #tpu.memory_space<vmem>>, %arg6: memref<8x1024xi32, #tpu.memory_space<vmem>>, %arg7: memref<16xi32, #tpu.memory_space<vmem>>) attributes {dimension_semantics = [#tpu.dimension_semantics<core_parallel>, #tpu.dimension_semantics<subcore_parallel>], iteration_bounds = array<i64: 2, 16>, scalar_prefetch = 0 : i64, scratch_operands = 3 : i64, tpu.core_type = #tpu.core_type<sc_vector_subcore>, window_params = [{transform_indices = #map}, {transform_indices = #map1}, {transform_indices = #map}]} {
    %mul3A = arith.constant 2 : i32
    %mul3A_0 = arith.muli %arg1, %mul3A : i32
    %add3A = arith.addi %mul3A_0, %arg0 : i32
    %jit3A = arith.constant 4 : i32
    %div3A = arith.divsi %add3A, %jit3A : i32
    %sign3A = arith.constant 0 : i32
    %sign3A_1 = arith.cmpi sgt, %add3A, %sign3A : i32
    %sign3A_2 = arith.extui %sign3A_1 : i1 to i32
    %sign3A_3 = arith.constant 0 : i32
    %sign3A_4 = arith.cmpi slt, %add3A, %sign3A_3 : i32
    %sign3A_5 = arith.extui %sign3A_4 : i1 to i32
    %sign3A_6 = arith.subi %sign3A_2, %sign3A_5 : i32
    %sign3A_7 = arith.constant 0 : i32
    %sign3A_8 = arith.cmpi sgt, %jit3A, %sign3A_7 : i32
    %sign3A_9 = arith.extui %sign3A_8 : i1 to i32
    %sign3A_10 = arith.constant 0 : i32
    %sign3A_11 = arith.cmpi slt, %jit3A, %sign3A_10 : i32
    %sign3A_12 = arith.extui %sign3A_11 : i1 to i32
    %sign3A_13 = arith.subi %sign3A_9, %sign3A_12 : i32
    %ne3A = arith.cmpi ne, %sign3A_6, %sign3A_13 : i32
    %rem3A = arith.remsi %add3A, %jit3A : i32
    %ne3A_14 = arith.constant 0 : i32
    %ne3A_15 = arith.cmpi ne, %rem3A, %ne3A_14 : i32
    %and3A = arith.andi %ne3A, %ne3A_15 : i1
    %sub3A = arith.constant 1 : i32
    %sub3A_16 = arith.subi %div3A, %sub3A : i32
    %select_n3A = arith.select %and3A, %sub3A_16, %div3A : i32
    %mul3A_17 = arith.constant 8 : i32
    %mul3A_18 = arith.muli %select_n3A, %mul3A_17 : i32
    %jit3A_19 = arith.constant 4 : i32
    %eq3A = arith.constant 0 : i32
    %eq3A_20 = arith.cmpi eq, %jit3A_19, %eq3A : i32
    %jit3A_21 = arith.constant 1 : i32
    %select_n3A_22 = arith.select %eq3A_20, %jit3A_21, %jit3A_19 : i32
    %rem3A_23 = arith.remsi %add3A, %select_n3A_22 : i32
    %ne3A_24 = arith.constant 0 : i32
    %ne3A_25 = arith.cmpi ne, %rem3A_23, %ne3A_24 : i32
    %lt3A = arith.constant 0 : i32
    %lt3A_26 = arith.cmpi slt, %rem3A_23, %lt3A : i32
    %lt3A_27 = arith.constant 0 : i32
    %lt3A_28 = arith.cmpi slt, %select_n3A_22, %lt3A_27 : i32
    %ne3A_29 = arith.xori %lt3A_26, %lt3A_28 : i1
    %and3A_30 = arith.andi %ne3A_29, %ne3A_25 : i1
    %add3A_31 = arith.addi %rem3A_23, %select_n3A_22 : i32
    %select_n3A_32 = arith.select %and3A_30, %add3A_31, %rem3A_23 : i32
    %mul3A_33 = arith.constant 1024 : i32
    %mul3A_34 = arith.muli %select_n3A_32, %mul3A_33 : i32
    "tpu.region"() ({
      %run_scoped3A = tpu.sem_alloc : memref<!tpu.dma_semaphore, #tpu.memory_space<semaphore_mem>>
      tpu.enqueue_dma source(%arg3 : memref<16xi32, #tpu.memory_space<hbm>>) target(%arg7 : memref<16xi32, #tpu.memory_space<vmem>>) target_semaphore(%run_scoped3A : memref<!tpu.dma_semaphore, #tpu.memory_space<semaphore_mem>>)
      tpu.wait_dma2 semaphore(%run_scoped3A : memref<!tpu.dma_semaphore, #tpu.memory_space<semaphore_mem>>) src(%arg3 : memref<16xi32, #tpu.memory_space<hbm>>) dst(%arg7 : memref<16xi32, #tpu.memory_space<vmem>>)
      tpu.yield
    }) : () -> ()
    "tpu.region"() ({
      %run_scoped3A = tpu.sem_alloc : memref<!tpu.dma_semaphore, #tpu.memory_space<semaphore_mem>>
      %dma_start3A = tpu.memref_slice %arg2[%mul3A_18, %mul3A_34] : memref<64x4096xi32, #tpu.memory_space<hbm>> -> memref<8x1024xi32, #tpu.memory_space<hbm>>
      %dma_start3A_47 = tpu.memref_slice %arg2[%mul3A_18, %mul3A_34] : memref<64x4096xi32, #tpu.memory_space<hbm>> -> memref<8x1024xi32, #tpu.memory_space<hbm>>
      tpu.enqueue_dma source(%dma_start3A_47 : memref<8x1024xi32, #tpu.memory_space<hbm>>) target(%arg5 : memref<8x1024xi32, #tpu.memory_space<vmem>>) target_semaphore(%run_scoped3A : memref<!tpu.dma_semaphore, #tpu.memory_space<semaphore_mem>>)
      %dma_wait3A = tpu.memref_slice %arg2[%mul3A_18, %mul3A_34] : memref<64x4096xi32, #tpu.memory_space<hbm>> -> memref<8x1024xi32, #tpu.memory_space<hbm>>
      %dma_wait3A_48 = tpu.memref_slice %arg2[%mul3A_18, %mul3A_34] : memref<64x4096xi32, #tpu.memory_space<hbm>> -> memref<8x1024xi32, #tpu.memory_space<hbm>>
      tpu.wait_dma2 semaphore(%run_scoped3A : memref<!tpu.dma_semaphore, #tpu.memory_space<semaphore_mem>>) src(%dma_wait3A_48 : memref<8x1024xi32, #tpu.memory_space<hbm>>) dst(%arg5 : memref<8x1024xi32, #tpu.memory_space<vmem>>)
      tpu.yield
    }) : () -> ()
    %get3A = arith.constant 0 : index
    %get3A_35 = tpu.vector_load %arg7[%get3A] {strides = array<i32>} : memref<16xi32, #tpu.memory_space<vmem>>, vector<16xi32>,
    %get3A_36 = vector.shape_cast %get3A_35 : vector<16xi32> to vector<16xi32>
    %while3A = arith.constant 0 : i32
    %while3A_37 = arith.constant 0 : i32
    %while3A_38 = arith.constant 8 : i32
    %while3A_39 = arith.subi %while3A_38, %while3A_37 : i32
    %while3A_40 = arith.addi %while3A_37, %while3A_39 : i32
    %while3A_41 = arith.constant 1 : i32
    %while3A_42 = arith.divsi %while3A_39, %while3A_41 : i32
    %while3A_43 = arith.muli %while3A_42, %while3A_41 : i32
    %while3A_44 = arith.addi %while3A_37, %while3A_43 : i32
    %while3A_45 = arith.constant 1 : i32
    scf.for %while3A_47 = %while3A_37 to %while3A_44 step %while3A_45  : i32 {
      %parallel_loop3A = arith.constant 0 : i32
      %parallel_loop3A_48 = arith.constant 1024 : i32
      %parallel_loop3A_49 = arith.constant 16 : i32
      scf.for %parallel_loop3A_50 = %parallel_loop3A to %parallel_loop3A_48 step %parallel_loop3A_49  : i32 {
        %parallel_loop3A_51 = arith.index_cast %while3A_47 : i32 to index
        %parallel_loop3A_52 = arith.index_cast %parallel_loop3A_50 : i32 to index
        %parallel_loop3A_53 = tpu.vector_load %arg5[%parallel_loop3A_51, %parallel_loop3A_52] {strides = array<i32>} : memref<8x1024xi32, #tpu.memory_space<vmem>>, vector<1x16xi32>,
        %parallel_loop3A_54 = vector.shape_cast %parallel_loop3A_53 : vector<1x16xi32> to vector<16xi32>
        %parallel_loop3A_55 = arith.constant 0 : i32
        %parallel_loop3A_56 = vector.broadcast %parallel_loop3A_55 : i32 to vector<16xi32>
        %parallel_loop3A_57 = arith.maxsi %parallel_loop3A_54, %parallel_loop3A_56 : vector<16xi32>
        %parallel_loop3A_58 = arith.constant 8 : i32
        %parallel_loop3A_59 = vector.broadcast %parallel_loop3A_58 : i32 to vector<16xi32>
        %parallel_loop3A_60 = arith.minsi %parallel_loop3A_57, %parallel_loop3A_59 : vector<16xi32>
        %parallel_loop3A_61 = vector.shape_cast %parallel_loop3A_60 : vector<16xi32> to vector<16x1xi32>
        %parallel_loop3A_62 = vector.shape_cast %parallel_loop3A_61 : vector<16x1xi32> to vector<16xi32>
        %parallel_loop3A_63 = tpu.dynamic_gather %get3A_36[%parallel_loop3A_62] in [0] : vector<16xi32>, vector<16xi32> -> vector<16xi32>
        %parallel_loop3A_64 = arith.index_cast %while3A_47 : i32 to index
        %parallel_loop3A_65 = arith.index_cast %parallel_loop3A_50 : i32 to index
        %parallel_loop3A_66 = tpu.vector_load %arg6[%parallel_loop3A_64, %parallel_loop3A_65] {strides = array<i32>} : memref<8x1024xi32, #tpu.memory_space<vmem>>, vector<1x16xi32>,
        %parallel_loop3A_67 = vector.shape_cast %parallel_loop3A_66 : vector<1x16xi32> to vector<16xi32>
        %parallel_loop3A_68 = vector.shape_cast %parallel_loop3A_63 : vector<16xi32> to vector<1x16xi32>
        tpu.vector_store %arg6[%parallel_loop3A_64, %parallel_loop3A_65], %parallel_loop3A_68 {strides = array<i32>} : memref<8x1024xi32, #tpu.memory_space<vmem>>, vector<1x16xi32>,
      } {sc.loop_unroll_factor = 8 : i64, sc.parallel_access}
    }
    %while3A_46 = arith.constant 1 : i32
    scf.for %while3A_47 = %while3A_44 to %while3A_40 step %while3A_46  : i32 {
      %parallel_loop3A = arith.constant 0 : i32
      %parallel_loop3A_48 = arith.constant 1024 : i32
      %parallel_loop3A_49 = arith.constant 16 : i32
      scf.for %parallel_loop3A_50 = %parallel_loop3A to %parallel_loop3A_48 step %parallel_loop3A_49  : i32 {
        %parallel_loop3A_51 = arith.index_cast %while3A_47 : i32 to index
        %parallel_loop3A_52 = arith.index_cast %parallel_loop3A_50 : i32 to index
        %parallel_loop3A_53 = tpu.vector_load %arg5[%parallel_loop3A_51, %parallel_loop3A_52] {strides = array<i32>} : memref<8x1024xi32, #tpu.memory_space<vmem>>, vector<1x16xi32>,
        %parallel_loop3A_54 = vector.shape_cast %parallel_loop3A_53 : vector<1x16xi32> to vector<16xi32>
        %parallel_loop3A_55 = arith.constant 0 : i32
        %parallel_loop3A_56 = vector.broadcast %parallel_loop3A_55 : i32 to vector<16xi32>
        %parallel_loop3A_57 = arith.maxsi %parallel_loop3A_54, %parallel_loop3A_56 : vector<16xi32>
        %parallel_loop3A_58 = arith.constant 8 : i32
        %parallel_loop3A_59 = vector.broadcast %parallel_loop3A_58 : i32 to vector<16xi32>
        %parallel_loop3A_60 = arith.minsi %parallel_loop3A_57, %parallel_loop3A_59 : vector<16xi32>
        %parallel_loop3A_61 = vector.shape_cast %parallel_loop3A_60 : vector<16xi32> to vector<16x1xi32>
        %parallel_loop3A_62 = vector.shape_cast %parallel_loop3A_61 : vector<16x1xi32> to vector<16xi32>
        %parallel_loop3A_63 = tpu.dynamic_gather %get3A_36[%parallel_loop3A_62] in [0] : vector<16xi32>, vector<16xi32> -> vector<16xi32>
        %parallel_loop3A_64 = arith.index_cast %while3A_47 : i32 to index
        %parallel_loop3A_65 = arith.index_cast %parallel_loop3A_50 : i32 to index
        %parallel_loop3A_66 = tpu.vector_load %arg6[%parallel_loop3A_64, %parallel_loop3A_65] {strides = array<i32>} : memref<8x1024xi32, #tpu.memory_space<vmem>>, vector<1x16xi32>,
        %parallel_loop3A_67 = vector.shape_cast %parallel_loop3A_66 : vector<1x16xi32> to vector<16xi32>
        %parallel_loop3A_68 = vector.shape_cast %parallel_loop3A_63 : vector<16xi32> to vector<1x16xi32>
        tpu.vector_store %arg6[%parallel_loop3A_64, %parallel_loop3A_65], %parallel_loop3A_68 {strides = array<i32>} : memref<8x1024xi32, #tpu.memory_space<vmem>>, vector<1x16xi32>,
      } {sc.loop_unroll_factor = 8 : i64, sc.parallel_access}
    }
    "tpu.region"() ({
      %run_scoped3A = tpu.sem_alloc : memref<!tpu.dma_semaphore, #tpu.memory_space<semaphore_mem>>
      %dma_start3A = tpu.memref_slice %arg4[%mul3A_18, %mul3A_34] : memref<64x4096xi32, #tpu.memory_space<hbm>> -> memref<8x1024xi32, #tpu.memory_space<hbm>>
      %dma_start3A_47 = tpu.memref_slice %arg4[%mul3A_18, %mul3A_34] : memref<64x4096xi32, #tpu.memory_space<hbm>> -> memref<8x1024xi32, #tpu.memory_space<hbm>>
      tpu.enqueue_dma source(%arg6 : memref<8x1024xi32, #tpu.memory_space<vmem>>) target(%dma_start3A_47 : memref<8x1024xi32, #tpu.memory_space<hbm>>) target_semaphore(%run_scoped3A : memref<!tpu.dma_semaphore, #tpu.memory_space<semaphore_mem>>)
      %dma_wait3A = tpu.memref_slice %arg4[%mul3A_18, %mul3A_34] : memref<64x4096xi32, #tpu.memory_space<hbm>> -> memref<8x1024xi32, #tpu.memory_space<hbm>>
      %dma_wait3A_48 = tpu.memref_slice %arg4[%mul3A_18, %mul3A_34] : memref<64x4096xi32, #tpu.memory_space<hbm>> -> memref<8x1024xi32, #tpu.memory_space<hbm>>
      tpu.wait_dma2 semaphore(%run_scoped3A : memref<!tpu.dma_semaphore, #tpu.memory_space<semaphore_mem>>) src(%arg6 : memref<8x1024xi32, #tpu.memory_space<vmem>>) dst(%dma_wait3A_48 : memref<8x1024xi32, #tpu.memory_space<hbm>>)
      tpu.yield
    }) : () -> ()
    return
  }
}

</mosaic_0001>

<sc_bundles>
// kernel: kernel.3.cloned.1.call-start
scs
__scs_entry_jumppad:
0x0: {  	(pc) =	sbr.rel $0x88, $3  }
0x1: {  	(tag) =	ssettag $0x0;
	lr =	simm.s32 $0x1  }
0x2: {  	[smem:$0x3F9E] =	sst lr;
	_ =	strace $0xD0000000  }
0x3: {  	_ = 	snop  }
0x4: {  	_ = 	snop  }
0x5: {  	_ = 	snop  }
0x6: {  	_ = 	snop  }
0x7: {  	_ = 	snop  }
__scs_overlays_trampoline_lowered:
0x8: {  	[smem:$0x3FAD] =	sst s0  }
0x9: {  	[smem:$0x3FAE] =	sst s1  }
0xa: {  	[smem:$0x3FAF] =	sst s2  }
0xb: {  	[smem:$0x3FB0] =	sst s3  }
0xc: {  	[smem:$0x3FB1] =	sst s4  }
0xd: {  	[smem:$0x3FB2] =	sst s5  }
0xe: {  	[smem:$0x3FB3] =	sst s6  }
0xf: {  	[smem:$0x3FB4] =	sst s7  }
0x10: {  	[smem:$0x3FB5] =	sst s8  }
0x11: {  	[smem:$0x3FB6] =	sst s9;
	s0 =	simm.s32 @!p0 $0x0  }
0x12: {  	s1 =	sld [smem:$0x3F9C];
	s0 =	simm.s32 @p0 $0x1  }
0x13: {  	[smem:$0x3FB7] =	sst s0;
	s0 =	simm.s32 @!p1 $0x0  }
0x14: {  	s2 =	sld [smem:$0x3F9B];
	s0 =	simm.s32 @p1 $0x1  }
0x15: {  	[smem:$0x3FB8] =	sst s0;
	s0 =	simm.s32 @!p2 $0x0  }
0x16: {  	s3 =	sld [smem:$0x3FDB];
	s0 =	simm.s32 @p2 $0x1  }
0x17: {  	s4 =	simm.s32 $0x1BF5;
	[smem:$0x3FBA] =	sst s0  }
0x18: {  	s0 =	sld [smem:$0x3F9D];
	_ =	swait.ge [sflag:s4], $0x0  }
0x19: {  	s7 =	sld [smem:$0x3F9E]  }
0x1a: {  	s8 =	sadd.s32 $0xFFFFE003, lr  }
0x1b: {  	s9 =	sadd.s32 $0xFFFFFEF7, lr;
	s5 =	simm.s32 $0xFFFFFFFF;
	p2 =	slt.u32 s8, $0xFFFFF086  }
0x1c: {  	p1 =	slt.u32 s9, $0xF7A;
	s5 =	simm.s32 @!p2 $0x0  }
0x1d: {  	s5 =	simm.s32 @p1 $0x1;
	p0 =	seq.s32 s7, s2  }
0x1e: {  	s7 =	smul.u32 @!p0 $0xF7A, s2;
	p2 =	seq.s32 @!p0 s5, $0x0  }
0x1f: {  	s9 =	smul.u32 $0xF7A, s1;
	s8 =	simm.s32 @!p0 $0x1BF5;
	p2 =	por !p2, p0  }
0x20: {  	[sflag:s8] =	ssyncset.s32 @!p0 $0xFFFFF086;
	s6 =	sadd.s32 @!p0 s3, s7;
	s7 =	simm.s32 @!p0 $0x108  }
0x21: {  	s3 =	sadd.s32 s3, s9;
	s6 =	sadd.s32 @!p0 $0x88, s6;
	s7 =	simm.s32 @p2 $0x1082  }
0x22: {  	[simem:s7], [sflag:s8] =	dma.local @!p0 [hbm:s6], $0xF7A  }
0x23: {  	s9 =	sor.u32 $0xD0000000, s2;
	s6 =	simm.s32 $0x108;
	_ =	swait.ge @!p0 [sflag:s8], $0x0  }
0x24: {  	s3 =	sadd.s32 $0x88, s3;
	s6 =	simm.s32 @!p1 $0x1082;
	[sflag:s4] =	ssyncset.s32 $0xFFFFF086  }
0x25: {  	[simem:s6], [sflag:s4] =	dma.local [hbm:s3], $0xF7A  }
0x26: {  	[smem:$0x3F9E] =	sst s1;
	(tag) =	ssettag s2;
	_ =	strace s9  }
0x27: {  	s1 =	sld [smem:$0x3FAE]  }
0x28: {  	s2 =	sld [smem:$0x3FAF]  }
0x29: {  	s4 =	sld [smem:$0x3FB1]  }
0x2a: {  	p0 =	seq.s32 s5, $0x0;
	s5 =	sld [smem:$0x3FB2]  }
0x2b: {  	s6 =	sld [smem:$0x3FB3]  }
0x2c: {  	s7 =	sld [smem:$0x3FB4]  }
0x2d: {  	s3 =	simm.s32 $0x108;
	s8 =	sld [smem:$0x3FB5]  }
0x2e: {  	s3 =	simm.s32 @!p0 $0x1082;
	s9 =	sld [smem:$0x3FB6]  }
0x2f: {  	lr =	sadd.s32 s0, s3;
	s0 =	sld [smem:$0x3FAD]  }
0x30: {  	s3 =	sld [smem:$0x3FB0]  }
0x31: {  	[smem:$0x3FB9] =	sst s10  }
0x32: {  	s10 =	sld [smem:$0x3FB7];
	_ =	sdelay $0x3  }
0x33: {  	p0 =	seq.s32 s10, $0x1;
	s10 =	sld [smem:$0x3FB9];
	_ =	sdelay $0x3  }
0x34: {  	[smem:$0x3FB9] =	sst s10  }
0x35: {  	s10 =	sld [smem:$0x3FB8];
	_ =	sdelay $0x3  }
0x36: {  	p1 =	seq.s32 s10, $0x1;
	s10 =	sld [smem:$0x3FB9];
	_ =	sdelay $0x3  }
0x37: {  	[smem:$0x3FB9] =	sst s10  }
0x38: {  	s10 =	sld [smem:$0x3FBA]  }
0x39: {  	_ = 	snop;
	(pc) =	sbr.ind lr, $3  }
0x3a: {  	_ = 	snop  }
0x3b: {  	_ = 	snop  }
0x3c: {  	p2 =	seq.s32 s10, $0x1;
	s10 =	sld [smem:$0x3FB9]  }
0x3d: {  	_ =	shalt  }
0x3e: {  	_ =	shalt  }
0x3f: {  	_ =	shalt  }
0x40: {  	_ =	shalt  }
0x41: {  	_ =	shalt  }
0x42: {  	_ =	shalt  }
0x43: {  	_ =	shalt  }
0x44: {  	_ =	shalt  }
0x45: {  	_ =	shalt  }
0x46: {  	_ =	shalt  }
0x47: {  	_ =	shalt  }
0x48: {  	_ =	shalt  }
0x49: {  	_ =	shalt  }
0x4a: {  	_ =	shalt  }
0x4b: {  	_ =	shalt  }
0x4c: {  	_ =	shalt  }
0x4d: {  	_ =	shalt  }
0x4e: {  	_ =	shalt  }
0x4f: {  	_ =	shalt  }
0x50: {  	_ =	shalt  }
0x51: {  	_ =	shalt  }
0x52: {  	_ =	shalt  }
0x53: {  	_ =	shalt  }
0x54: {  	_ =	shalt  }
0x55: {  	_ =	shalt  }
0x56: {  	_ =	shalt  }
0x57: {  	_ =	shalt  }
0x58: {  	_ =	shalt  }
0x59: {  	_ =	shalt  }
0x5a: {  	_ =	shalt  }
0x5b: {  	_ =	shalt  }
0x5c: {  	_ =	shalt  }
0x5d: {  	_ =	shalt  }
0x5e: {  	_ =	shalt  }
0x5f: {  	_ =	shalt  }
0x60: {  	_ =	shalt  }
0x61: {  	_ =	shalt  }
0x62: {  	_ =	shalt  }
0x63: {  	_ =	shalt  }
0x64: {  	_ =	shalt  }
0x65: {  	_ =	shalt  }
0x66: {  	_ =	shalt  }
0x67: {  	_ =	shalt  }
0x68: {  	_ =	shalt  }
0x69: {  	_ =	shalt  }
0x6a: {  	_ =	shalt  }
0x6b: {  	_ =	shalt  }
0x6c: {  	_ =	shalt  }
0x6d: {  	_ =	shalt  }
0x6e: {  	_ =	shalt  }
0x6f: {  	_ =	shalt  }
0x70: {  	_ =	shalt  }
0x71: {  	_ =	shalt  }
0x72: {  	_ =	shalt  }
0x73: {  	_ =	shalt  }
0x74: {  	_ =	shalt  }
0x75: {  	_ =	shalt  }
0x76: {  	_ =	shalt  }
0x77: {  	_ =	shalt  }
0x78: {  	_ =	shalt  }
0x79: {  	_ =	shalt  }
0x7a: {  	_ =	shalt  }
0x7b: {  	_ =	shalt  }
0x7c: {  	_ =	shalt  }
0x7d: {  	_ =	shalt  }
0x7e: {  	_ =	shalt  }
0x7f: {  	_ =	shalt  }
0x80: {  	_ =	shalt  }
0x81: {  	_ =	shalt  }
0x82: {  	_ =	shalt  }
0x83: {  	_ =	shalt  }
0x84: {  	_ =	shalt  }
0x85: {  	_ =	shalt  }
0x86: {  	_ =	shalt  }
0x87: {  	_ =	shalt  }
.Lfunc_end0:
.L_simem_size_0:
called_computation_lowered:
.L_overlay_start_0:
0x88: {  	s2 =	sld [smem:$0x3FD9]  }
0x89: {  	s3 =	sld [smem:$0x3FFE];
	_ =	sdelay $0x1  }
0x8a: {  	s1 =	srdreg.scid  }
0x8b: {  	s0 =	sand.u32 $0x1, s1  }
0x8c: {  	s14 =	sshll.u32 s0, $0xA;
	s2 =	sadd.s32 s3, s2  }
0x8d: {  	s2 =	sadd.s32 s2, s14  }
0x8e: {  	[smem:$0x3FC5] =	sst s2  }
0x8f: {  	_ = 	snop  }
0x90: {  	s2 =	sld [smem:$0x3FD0];
	_ =	sdelay $0x2  }
0x91: {  	s15 =	simm.s32 $0xA;
	s4 =	simm.s32 $0x10  }
0x92: {  	[smem:s4], [sflag:s15] =	dma.local [hbm:s2], $0x1  }
0x93: {  	_ =	swait.eq [sflag:s15], $0x1  }
0x94: {  	[sflag:s15] =	ssyncset.done $0x0  }
0x95: {  	s16 =	sld [smem:$0x10];
	[sflag:s15] =	ssyncadd.s32 $0xFFFFFFFF  }
0x96: {  	s17 =	sld [smem:$0x11];
	(tm) =	ssettm $0x1  }
0x97: {  	s18 =	sld [smem:$0x3FFB];
	_ =	sdelay $0x3  }
0x98: {  	_ =	strace s18  }
0x99: {  	s4 =	sld [smem:$0x3FFC];
	_ =	sdelay $0x3  }
0x9a: {  	_ =	strace s4  }
0x9b: {  	s4 =	sld [smem:$0x3FFD];
	_ =	sdelay $0x3  }
0x9c: {  	_ =	strace s4  }
0x9d: {  	_ =	strace $0x8FFFFFFF  }
0x9e: {  	s19 =	sld [smem:$0x3FDB];
	_ =	sdelay $0x1  }
0x9f: {  	s5 =	simm.s32 $_scs_section_size  }
0xa0: {  	s6 =	simm.s32 $_size__tile_overlayer_lowered;
	s7 =	simm.s32 $_tile_overlayer_lowered  }
0xa1: {  	s22 =	simm.s32 $0x1BFF;
	s21 =	sshll.u32 s7, $0x1;
	s4 =	sadd.s32 s5, s19  }
0xa2: {  	s8 =	simm.s32 $0x0;
	s20 =	sshll.u32 s6, $0x1;
	s6 =	sadd.s32 s21, s4  }
0xa3: {  	[timem:s8], [sflag:s22] =	dma.local [hbm:s6], s20  }
0xa4: {  	_ =	swait.ge [sflag:s22], s20  }
0xa5: {  	s5 =	ssub.s32 $0x0, s20;
	[sflag:s22] =	ssyncset.done $0x0  }
0xa6: {  	[sflag:s22] =	ssyncadd.s32 s5;
	_ =	sdelay $0x1  }
0xa7: {  	s23 =	simm.s32 $0x1B8B  }
0xa8: {  	_ =	swait.ge [sflag:s23], $0x1  }
0xa9: {  	[sflag:s23] =	ssyncset.done $0x0  }
0xaa: {  	s25 =	simm.s32 $0x1B8E;
	s24 =	sld [smem:$0x3FFE];
	[sflag:s23] =	ssyncadd.s32 $0xFFFFFFFF  }
0xab: {  	s26 =	simm.s32 $execute0_lowered;
	[smem:$0x3FD2] =	sst s25  }
0xac: {  	s6 =	sshll.u32 s26, $0x1;
	_ =	strace $0x80000046;
	[dreg:$0x1] =	wrdreg $0xFFFFFFFF  }
0xad: {  	s28 =	simm.s32 $_size_execute0_lowered;
	s4 =	sadd.s32 s4, s6;
	[dreg:$0x0] =	wrdreg $0x0  }
0xae: {  	s6 =	sshll.u32 s28, $0x1;
	[dreg:$0x2] =	wrdreg s4  }
0xaf: {  	[dreg:$0x3] =	wrdreg s6  }
0xb0: {  	[dreg:$0x4] =	wrdreg $0xC0  }
0xb1: {  	_ =	task [dreg:s8], $0x5FFFF  }
0xb2: {  	[dreg:$0x1] =	wrdreg $0xFFFFFFFF  }
0xb3: {  	[dreg:$0x0] =	wrdreg $0x60  }
0xb4: {  	[dreg:$0x2] =	wrdreg s16  }
0xb5: {  	[dreg:$0x3] =	wrdreg s24  }
0xb6: {  	[dreg:$0x4] =	wrdreg s17  }
0xb7: {  	[dreg:$0x5] =	wrdreg $0x9  }
0xb8: {  	_ =	task.clear_ibuf [dreg:s8], $0x6FFFF;
	_ =	strace $0x90000046  }
0xb9: {  	s29 =	simm.s32 $0x9;
	_ =	strace $0x80000048  }
0xba: {  	_ =	swait.ge [sflag:s29], $0x1  }
0xbb: {  	[sflag:s29] =	ssyncadd.s32 $0xFFFFFFFF  }
0xbc: {  	_ =	strace $0x90000048  }
0xbd: {  	_ =	sfence  }
0xbe: {  	s30 =	sld [smem:$0x0];
	_ =	sdelay $0x2  }
0xbf: {  	s31 =	sshll.u32 s1, $0xD;
	s1 =	sshrl.u32 s1, $0x2  }
0xc0: {  	s3 =	sand.u32 $0x4000, s31;
	s1 =	sadd.s32 s1, s30  }
0xc1: {  	s0 =	sor.u32 s3, s0;
	s1 =	sshll.u32 s1, $0x11  }
0xc2: {  	s0 =	sor.u32 s1, s0  }
0xc3: {  	s0 =	sadd.s32 $0x8F2B, s0  }
0xc4: {  	[sflag:s0] =	ssyncadd.remote.s32 $0x1  }
0xc5: {  	_ =	sfence.sel $0xFFFF  }
0xc6: {  	[dreg:$0x0] =	wrdreg $0xFFFFFFFF;
	(pc) =	sbr.abs _section_cstart, $3  }
0xc7: {  	[dreg:$0x1] =	wrdreg $0xFFFFFFFF  }
0xc8: {  	_ =	task.clear_ibuf [dreg:s8], $0x2FFFF;
	_ =	strace $0x9FFFFFFF  }
0xc9: {  	(tm) =	ssettm $0x7FFFFFFF  }
tec
execute0_lowered:
.L_overlay_start_1:
0x0: {  	(tag) =	ssettag $0x1  }
0x1: {  	s4 =	rddreg [dreg:$0x0]  }
0x2: {  	s3 =	rddreg [dreg:$0x1]  }
0x3: {  	s5 =	rddreg [dreg:$0x2];
	s1 =	stileid.u32  }
0x4: {  	s0 =	rddreg [dreg:$0x3];
	s6 =	srdreg.scid;
	s2 =	simm.s32 $0x0  }
0x5: {  	s10 =	simm.s32 $0x0;
	s7 =	sshll.u32 s1, $0x1;
	s6 =	sand.u32 $0x1, s6  }
0x6: {  	[smem:$0x7FF] =	sst s2;
	s8 =	sshll.u32 s1, $0xB;
	s7 =	sand.u32 $0x2, s7  }
0x7: {  	s3 =	sadd.s32 $0x800, s3;
	s7 =	sor.u32 s6, s7;
	s6 =	ssub.s32 $0x2, s6  }
0x8: {  	s8 =	sand.u32 $0x7000, s8;
	s7 =	sshll.u32 s7, $0xA;
	s9 =	sshrl.u32 s6, $0x1  }
0x9: {  	_ =	strace $0x80000047;
	s7 =	sor.u32 s8, s7;
	s6 =	ssub.s32 s6, s9  }
0xa: {  	s8 =	simm.s32 $0x1;
	s9 =	simm.s32 $0x2000;
	s4 =	sadd.s32 s4, s7  }
0xb: {  	s5 =	sadd.s32 s5, s7;
	s6 =	smax.u32 s6, $0x1;
	s7 =	simm.s32 $0x4000  }
.LBB2_1:
0xc: {  	[tilespmem:s7], [sflag:$0x1] =	stream.linear.gather [hbm4b:s3+s2], $0x80, $0x38;
	[tilespmem:$0x4080] =	vst v63  }
0xd: {  	_ =	swait.ge [sflag:s8], $0x80  }
0xe: {  	[sflag:s8] =	ssyncset.done $0x0  }
0xf: {  	[sflag:s8] =	ssyncadd.s32 $0xFFFFFF80  }
0x10: {  	[tilespmem:s2], [sflag:$0x1] =	stream.linear.gather [hbm4b:s4+s2], $0x2000, $0x38;
	[tilespmem:$0x4080] =	vst v63  }
0x11: {  	_ =	swait.ge [sflag:s8], $0x2000  }
0x12: {  	[sflag:s8] =	ssyncset.done $0x0  }
0x13: {  	[sflag:s8] =	ssyncadd.s32 $0xFFFFE000  }
0x14: {  	v0 =	vld [tilespmem:$0x4000]  }
0x15: {  	s11 =	simm.s32 $0x2040;
	s12 =	simm.s32 $0x40;
	s13 =	simm.s32 $0x0  }
.LBB2_2:
0x16: {  	v1 =	vld [tilespmem:s12+$0x30]  }
0x17: {  	v2 =	vld [tilespmem:s12+$0xFFFFFFD0]  }
0x18: {  	v3 =	vld [tilespmem:s12+$0xFFFFFFE0]  }
0x19: {  	v6 =	vld [tilespmem:s12+$0x10]  }
0x1a: {  	v4 =	vld [tilespmem:s12+$0xFFFFFFF0]  }
0x1b: {  	v8 =	vld [tilespmem:s12+$0xFFFFFFC0]  }
0x1c: {  	v5 =	vld [tilespmem:s12+$0x0];
	s16 =	sadd.s32 $0x400, s12;
	vm0 =	vgt.s32 v1, $0x0;
	vm1 =	vgt.s32 v2, $0x0  }
0x1d: {  	v10 =	vld [tilespmem:s16+$0xFFFFFFD0];
	v1 =	vnsel vm0, $0x0, v1;
	v2 =	vnsel vm1, $0x0, v2;
	vm0 =	vgt.s32 v3, $0x0  }
0x1e: {  	v7 =	vld [tilespmem:s12+$0x20];
	vm1 =	vgt.s32 v6, $0x0;
	v1 =	vmin.u32 v1, $0x8;
	v3 =	vnsel vm0, $0x0, v3  }
0x1f: {  	v9 =	vld [tilespmem:s16+$0x30];
	vm0 =	vgt.s32 v4, $0x0;
	v2 =	vmin.u32 v2, $0x8;
	v6 =	vnsel vm1, $0x0, v6  }
0x20: {  	vm1 =	vgt.s32 v8, $0x0;
	v1 =	vperm.xlane v0, v1;
	v4 =	vnsel vm0, $0x0, v4  }
0x21: {  	vm0 =	vgt.s32 v5, $0x0;
	v3 =	vmin.u32 v3, $0x8;
	v8 =	vnsel vm1, $0x0, v8  }
0x22: {  	v6 =	vmin.u32 v6, $0x8;
	v2 =	vperm.xlane v0, v2;
	vm1 =	vgt.s32 v10, $0x0  }
0x23: {  	v11 =	vld [tilespmem:s16+$0xFFFFFFE0];
	v5 =	vnsel vm0, $0x0, v5;
	v4 =	vmin.u32 v4, $0x8;
	vm0 =	vgt.s32 v7, $0x0  }
0x24: {  	v12 =	vld [tilespmem:s16+$0xFFFFFFF0];
	v8 =	vmin.u32 v8, $0x8;
	v7 =	vnsel vm0, $0x0, v7;
	vm0 =	vgt.s32 v9, $0x0  }
0x25: {  	v14 =	vld [tilespmem:s16+$0x0];
	v13 =	vperm.xlane v0, v3;
	v5 =	vmin.u32 v5, $0x8;
	[tilespmem:s11+$0xFFFFFFD0] =	vst v2;
	v2 =	vnsel vm0, $0x0, v9  }
0x26: {  	[tilespmem:s11+$0x30] =	vst v1;
	v8 =	vperm.xlane v0, v8;
	v15 =	vperm.xlane v0, v4;
	v1 =	vld [tilespmem:s16+$0x10];
	v2 =	vmin.u32 v2, $0x8  }
0x27: {  	v16 =	vperm.xlane v0, v5;
	v5 =	vnsel vm1, $0x0, v10;
	[tilespmem:s11+$0xFFFFFFE0] =	vst v13;
	v10 =	vperm.xlane v0, v2;
	v2 =	vld [tilespmem:s16+$0x20]  }
0x28: {  	v3 =	vperm.xlane v0, v6;
	v6 =	vld [tilespmem:s16+$0xFFFFFFC0];
	v7 =	vmin.u32 v7, $0x8;
	vm0 =	vgt.s32 v11, $0x0;
	[tilespmem:s11+$0xFFFFFFC0] =	vst v8  }
0x29: {  	v4 =	vperm.xlane v0, v7;
	v7 =	vnsel vm0, $0x0, v11;
	vm0 =	vgt.s32 v12, $0x0;
	[tilespmem:s11+$0xFFFFFFF0] =	vst v15  }
0x2a: {  	s14 =	sadd.s32 $0x400, s11;
	v5 =	vmin.u32 v5, $0x8;
	v8 =	vnsel vm0, $0x0, v12;
	vm0 =	vgt.s32 v14, $0x0;
	[tilespmem:s11+$0x0] =	vst v16  }
0x2b: {  	s15 =	simm.s32 $0x80;
	s17 =	sadd.s32 $0x400, s16;
	v7 =	vmin.u32 v7, $0x8;
	s16 =	smov.u32 s11;
	v9 =	vnsel vm0, $0x0, v14;
	vm0 =	vgt.s32 v1, $0x0;
	[tilespmem:s14+$0x30] =	vst v10  }
.LBB2_3:
0x2c: {  	v10 =	vld [tilespmem:s17+$0x30];
	s15 =	sadd.s32 $0x80, s15;
	v8 =	vmin.u32 v8, $0x8;
	v1 =	vnsel vm0, $0x0, v1;
	vm0 =	vgt.s32 v2, $0x0;
	[tilespmem:s16+$0x10] =	vst v3  }
0x2d: {  	v3 =	vmin.u32 v9, $0x8;
	v11 =	vld [tilespmem:s17+$0xFFFFFFD0];
	p0 =	slt.u32 s15, $0x380;
	vm1 =	vgt.s32 v6, $0x0;
	v2 =	vnsel vm0, $0x0, v2;
	[tilespmem:s16+$0x20] =	vst v4;
	s16 =	smov.u32 s14  }
0x2e: {  	v9 =	vld [tilespmem:s17+$0xFFFFFFE0];
	v4 =	vnsel vm1, $0x0, v6;
	v6 =	vmin.u32 v1, $0x8;
	v12 =	vmin.u32 v2, $0x8  }
0x2f: {  	v2 =	vperm.xlane v0, v5;
	v5 =	vperm.xlane v0, v7;
	v13 =	vld [tilespmem:s17+$0xFFFFFFF0];
	v1 =	vmin.u32 v4, $0x8  }
0x30: {  	v7 =	vperm.xlane v0, v8;
	v14 =	vld [tilespmem:s17+$0x0];
	v4 =	vperm.xlane v0, v1  }
0x31: {  	v15 =	vperm.xlane v0, v3;
	v3 =	vperm.xlane v0, v6;
	v1 =	vld [tilespmem:s17+$0x10];
	vm0 =	vgt.s32 v10, $0x0;
	[tilespmem:s14+$0xFFFFFFD0] =	vst v2  }
.Ltmp0:
0x32: {  	vm1 =	vgt.s32 v11, $0x0;
	v2 =	vld [tilespmem:s17+$0x20];
	v8 =	vnsel vm0, $0x0, v10;
	[tilespmem:s14+$0xFFFFFFC0] =	vst v4;
	v4 =	vperm.xlane v0, v12;
	(pc) =	sbr.rel @p0 .LBB2_3-.Ltmp0, $4  }
0x33: {  	v6 =	vld [tilespmem:s17+$0xFFFFFFC0];
	v10 =	vnsel vm1, $0x0, v11;
	vm0 =	vgt.s32 v9, $0x0;
	v8 =	vmin.u32 v8, $0x8;
	[tilespmem:s14+$0xFFFFFFE0] =	vst v5  }
0x34: {  	v9 =	vnsel vm0, $0x0, v9;
	vm0 =	vgt.s32 v13, $0x0;
	v11 =	vperm.xlane v0, v8;
	[tilespmem:s14+$0xFFFFFFF0] =	vst v7  }
0x35: {  	v5 =	vmin.u32 v10, $0x8;
	s14 =	sadd.s32 $0x400, s14;
	v8 =	vnsel vm0, $0x0, v13;
	vm0 =	vgt.s32 v14, $0x0;
	[tilespmem:s16+$0x0] =	vst v15  }
0x36: {  	s17 =	sadd.s32 $0x400, s17;
	v7 =	vmin.u32 v9, $0x8;
	v9 =	vnsel vm0, $0x0, v14;
	vm0 =	vgt.s32 v1, $0x0;
	[tilespmem:s14+$0x30] =	vst v11  }
0x37: {  	[tilespmem:s16+$0x10] =	vst v3;
	v5 =	vperm.xlane v0, v5;
	v61 =	vmin.u32 v8, $0x8;
	v1 =	vnsel vm0, $0x0, v1  }
0x38: {  	[tilespmem:s16+$0x20] =	vst v4;
	v62 =	vperm.xlane v0, v7;
	vm15 =	vgt.s32 v2, $0x0;
	vm1 =	vgt.s32 v6, $0x0  }
0x39: {  	s13 =	sadd.s32 $0x1, s13;
	v4 =	vperm.xlane v0, v61;
	v1 =	vmin.u32 v1, $0x8;
	v6 =	vnsel vm1, $0x0, v6;
	[tilespmem:s14+$0xFFFFFFD0] =	vst v5  }
0x3a: {  	v2 =	vnsel vm15, $0x0, v2;
	p0 =	sne.s32 s13, $0x8;
	[tilespmem:s14+$0xFFFFFFE0] =	vst v62;
	v1 =	vperm.xlane v0, v1;
	v3 =	vmin.u32 v6, $0x8  }
.Ltmp1:
0x3b: {  	v2 =	vmin.u32 v2, $0x8;
	[tilespmem:s14+$0xFFFFFFF0] =	vst v4;
	v3 =	vperm.xlane v0, v3;
	(pc) =	sbr.rel @p0 .LBB2_2-.Ltmp1, $4  }
0x3c: {  	v63 =	vmin.u32 v9, $0x8;
	v2 =	vperm.xlane v0, v2;
	[tilespmem:s14+$0x10] =	vst v1  }
0x3d: {  	[tilespmem:s14+$0xFFFFFFC0] =	vst v3;
	v3 =	vperm.xlane v0, v63  }
0x3e: {  	[tilespmem:s14+$0x20] =	vst v2  }
0x3f: {  	s11 =	sadd.s32 $0x80, s11;
	s12 =	sadd.s32 $0x80, s12;
	[tilespmem:s14+$0x0] =	vst v3  }
0x40: {  	s10 =	sadd.s32 $0x1, s10  }
0x41: {  	p0 =	sne.s32 s10, s6  }
.Ltmp2:
0x42: {  	_ = 	snop;
	(pc) =	sbr.rel @p0 .LBB2_1-.Ltmp2, $4  }
0x43: {  	[hbm4b:s5+s2] =	stream.linear.scatter [tilespmem:s9], [sflag:$0x1], $0x2000, $0x38;
	[tilespmem:$0x4080] =	vst v63  }
0x44: {  	_ =	swait.ge [sflag:s8], $0x2000  }
0x45: {  	[sflag:s8] =	ssyncset.done $0x0  }
0x46: {  	[sflag:s8] =	ssyncadd.s32 $0xFFFFE000  }
0x47: {  	_ =	sfence.sel $0x180000  }
0x48: {  	[bflag:$0x0] =	sbarrier.arrive $0xFFFF  }
0x49: {  	p0 =	sne.s32 s1, $0x0;
	_ =	strace $0x90000047  }
0x4a: {  	s0 =	sadd.s32 @!p0 $0x100000, s0;
	[bflag:$0x2] =	sbarrier.arrive $0xFFFF  }
0x4b: {  	[sflag:s0] =	ssyncadd.tile.s32 @!p0 $0x1;
	_ =	shalt  }
.Lfunc_end2:
_tile_overlayer_lowered:
.L_overlay_start_2:
0x4c: {  	(tag) =	ssettag $0x2  }
0x4d: {  	s0 =	rddreg [dreg:$0x0];
	s2 =	stileid.u32  }
0x4e: {  	s1 =	rddreg [dreg:$0x1];
	p0 =	sne.s32 s2, $0x0  }
0x4f: {  	s3 =	rddreg [dreg:$0x2];
	[bflag:$0x3] =	sbarrier.arrive $0xFFFF;
	s2 =	simm.s32 @!p0 $0x1C01  }
0x50: {  	[timem:s3], [sflag:s2] =	dma.local @!p0 [hbm:s0], s1  }
0x51: {  	s0 =	simm.s32 @!p0 $0x1  }
0x52: {  	_ =	swait.ge @!p0 [sflag:s0], s1  }
0x53: {  	s1 =	ssub.s32 @!p0 $0x0, s1;
	[sflag:s0] =	ssyncset.done @!p0 $0x0  }
0x54: {  	[sflag:s0] =	ssyncadd.s32 @!p0 s1  }
0x55: {  	[bflag:$0x3] =	sbarrier.arrive $0xFFFF  }
0x56: {  	_ =	shalt  }

</sc_bundles>
